<compile_context>
chip_gen: v7x
topology: tpu7x:2x2x1
jax: 0.10.2.dev20260603
libtpu: 0.0.44.dev20260713+nightly
codegen_flags: <defaults>
</compile_context>

<pallas_src>
import functools

import jax
import jax.numpy as jnp
from jax import lax
from jax.experimental import pallas as pl
from jax.experimental.pallas import tpu as pltpu
from jax.experimental.pallas import tpu_sc as plsc

_EPS = 1e-5
_B = 16384
_F = 26
_V = 100000
_D = 50
_NC = 13
_L1 = 512
_L2 = 256

_DP = 128
_H = 64
_NPAIR = _F * _V // 2

_ROWS = _B * _F
_NUM_WORKERS = 32
_ROWS_PER_W = _ROWS // _NUM_WORKERS
_CHUNK = 416
_NCHUNKS = _ROWS_PER_W // _CHUNK


def _sc_gather(tab128, flat_idx):
    mesh = plsc.VectorSubcoreMesh(core_axis_name="c", subcore_axis_name="s")

    @functools.partial(
        pl.kernel,
        out_type=jax.ShapeDtypeStruct((_ROWS, _DP), jnp.float32),
        mesh=mesh,
        scratch_types=[
            pltpu.VMEM((_ROWS_PER_W,), jnp.int32),
            pltpu.VMEM((_CHUNK, _DP), jnp.float32),
            pltpu.VMEM((_CHUNK, _DP), jnp.float32),
            pltpu.SemaphoreType.DMA,
            pltpu.SemaphoreType.DMA,
        ],
        compiler_params=pltpu.CompilerParams(use_tc_tiling_on_sc=True),
    )
    def gather_kernel(tab_hbm, idx_hbm, out_hbm, idx_v, buf0, buf1, sem0,
                      sem1):
        wid = lax.axis_index("s") * 2 + lax.axis_index("c")
        base = wid * _ROWS_PER_W
        pltpu.sync_copy(idx_hbm.at[pl.ds(base, _ROWS_PER_W)], idx_v)

        def start(i, buf, sem):
            pltpu.async_copy(
                tab_hbm.at[idx_v.at[pl.ds(i * _CHUNK, _CHUNK)]], buf, sem)

        def finish(i, buf, sem):
            pltpu.make_async_copy(
                tab_hbm.at[idx_v.at[pl.ds(i * _CHUNK, _CHUNK)]], buf, sem
            ).wait()
            pltpu.sync_copy(buf, out_hbm.at[pl.ds(base + i * _CHUNK, _CHUNK)])

        start(0, buf0, sem0)

        @pl.loop(0, _NCHUNKS, step=2)
        def _(i):
            start(i + 1, buf1, sem1)
            finish(i, buf0, sem0)

            @pl.when(i + 2 < _NCHUNKS)
            def _():
                start(i + 2, buf0, sem0)

            finish(i + 1, buf1, sem1)

    return gather_kernel(tab128, flat_idx)


def _mlp_body(x_ref, xc_ref, gc_ref, bc_ref, w1a_ref, w1b_ref,
              b1_ref, g1_ref, bt1_ref, w2_ref, b2_ref, g2_ref, bt2_ref,
              wo_ref, bo_ref, o_ref):
    inv = (1.0 / jnp.sqrt(1.0 + _EPS)).astype(jnp.float32)
    xc = xc_ref[...] * (gc_ref[...] * inv) + bc_ref[...]
    xw = jnp.concatenate([x_ref[f] for f in range(_F)], axis=-1)
    h = jnp.dot(xw, w1a_ref[...], preferred_element_type=jnp.float32)
    h = h + jnp.dot(xc, w1b_ref[...], preferred_element_type=jnp.float32)
    h = jnp.maximum(h + b1_ref[...], 0.0)
    h = h * (g1_ref[...] * inv) + bt1_ref[...]
    h = jnp.maximum(
        jnp.dot(h, w2_ref[...], preferred_element_type=jnp.float32)
        + b2_ref[...], 0.0)
    h = h * (g2_ref[...] * inv) + bt2_ref[...]
    o_ref[...] = (
        jnp.dot(h, wo_ref[...], preferred_element_type=jnp.float32)
        + bo_ref[...])


def _tc_mlp(x, x_cont, g_cont, b_cont, W1, b1, g1, beta1, W2, b2, g2,
            beta2, Wo, bo):
    bt = 1024
    grid = (_B // bt,)
    row = lambda v: v.reshape(1, -1)
    w1h = jnp.pad(W1[:_F * _D].reshape(_F, _D, _L1),
                  ((0, 0), (0, _H - _D), (0, 0)))
    zero = jnp.zeros_like(w1h)
    w1a = jnp.where(
        (jnp.arange(_F) % 2 == 0)[:, None, None],
        jnp.concatenate([w1h, zero], axis=1),
        jnp.concatenate([zero, w1h], axis=1)).reshape(_F * _DP, _L1)
    args = (
        x, x_cont, row(g_cont), row(b_cont),
        w1a, W1[_F * _D:], row(b1), row(g1), row(beta1),
        W2, row(b2), row(g2), row(beta2), Wo, row(bo),
    )
    full = lambda a: pl.BlockSpec(a.shape, lambda i: (0,) * a.ndim)
    in_specs = [
        pl.BlockSpec((_F, bt, _DP), lambda i: (0, i, 0)),
        pl.BlockSpec((bt, _NC), lambda i: (i, 0)),
    ] + [full(a) for a in args[2:]]
    return pl.pallas_call(
        _mlp_body,
        grid=grid,
        in_specs=in_specs,
        out_specs=pl.BlockSpec((bt, 1), lambda i: (i, 0)),
        out_shape=jax.ShapeDtypeStruct((_B, 1), jnp.float32),
        compiler_params=pltpu.CompilerParams(
            dimension_semantics=("arbitrary",)),
    )(*args)


def kernel(x_cat, x_cont, tables, g_cont, b_cont, W1, b1, g1, beta1, W2, b2,
           g2, beta2, Wo, bo):
    view = jnp.transpose(tables, (0, 2, 1)).reshape(_F // 2, 2, _D, _V)
    eye = jnp.eye(_D, _DP, dtype=jnp.float32)
    rhs = jnp.stack([eye, jnp.roll(eye, _H, axis=1)], axis=0)
    rhs = lax.optimization_barrier(rhs)
    tab128 = jnp.einsum("fpdv,pdc->fvc", view, rhs,
                        precision=lax.Precision.DEFAULT).reshape(_NPAIR, _DP)
    xc32 = x_cat.astype(jnp.int32)
    offs = ((jnp.arange(_F, dtype=jnp.int32) // 2) * _V)[:, None]
    flat_idx = (xc32.T + offs).reshape(_ROWS)
    emb = _sc_gather(tab128, flat_idx)
    x = emb.reshape(_F, _B, _DP)
    return _tc_mlp(x, x_cont, g_cont, b_cont, W1, b1, g1, beta1, W2,
                   b2, g2, beta2, Wo, bo)

# --- scband reference (transcript-rebuilt; emitter-appended) ---
"""Pipeline reference for scband-tabular-model-16028817948932 (READ-ONLY COPY).

The authoritative reference and input builder live on the scoring server;
editing this copy changes nothing except your own understanding.
"""

import jax, jax.numpy as jnp
import numpy as np

EPS = 1e-5
B = 16384
F = 26
V = 100000
D = 50
NC = 13
L1 = 512
L2 = 256
OUT = 1
NIN = F * D + NC


def setup_inputs(seed: int = 0) -> dict:
    key = jax.random.key(seed)
    ks = jax.random.split(key, 16)
    x_cat = jax.random.randint(ks[0], (B, F), 0, V, dtype=jnp.int64) if jax.config.read('jax_enable_x64') else jax.random.randint(ks[0], (B, F), 0, V, dtype=jnp.int32)
    x_cont = jax.random.normal(ks[1], (B, NC), dtype=jnp.float32)
    # stacked embedding tables (all fields share (V, D) sizing)
    tables = jax.random.normal(ks[2], (F, V, D), dtype=jnp.float32) * 0.01
    # BatchNorm1d(n_cont) affine params (eval mode: running_mean=0, running_var=1)
    g_cont = jnp.ones((NC,), dtype=jnp.float32)
    b_cont = jnp.zeros((NC,), dtype=jnp.float32)
    # MLP: Linear(NIN,512) ReLU BN Dropout -> Linear(512,256) ReLU BN Dropout -> Linear(256,1)
    W1 = jax.random.normal(ks[3], (NIN, L1), dtype=jnp.float32) * (1.0 / np.sqrt(NIN))
    b1 = jnp.zeros((L1,), dtype=jnp.float32)
    g1 = jnp.ones((L1,), dtype=jnp.float32)
    beta1 = jnp.zeros((L1,), dtype=jnp.float32)
    W2 = jax.random.normal(ks[4], (L1, L2), dtype=jnp.float32) * (1.0 / np.sqrt(L1))
    b2 = jnp.zeros((L2,), dtype=jnp.float32)
    g2 = jnp.ones((L2,), dtype=jnp.float32)
    beta2 = jnp.zeros((L2,), dtype=jnp.float32)
    Wo = jax.random.normal(ks[5], (L2, OUT), dtype=jnp.float32) * (1.0 / np.sqrt(L2))
    bo = jnp.zeros((OUT,), dtype=jnp.float32)
    return {
        'x_cat': x_cat, 'x_cont': x_cont, 'tables': tables,
        'g_cont': g_cont, 'b_cont': b_cont,
        'W1': W1, 'b1': b1, 'g1': g1, 'beta1': beta1,
        'W2': W2, 'b2': b2, 'g2': g2, 'beta2': beta2,
        'Wo': Wo, 'bo': bo,
    }


def reference(x_cat, x_cont, tables, g_cont, b_cont, W1, b1, g1, beta1, W2, b2, g2, beta2, Wo, bo):
    # per-field embedding lookup: embeds[i](x_cat[:, i])
    field_idx = jnp.arange(F)[None, :]  # [1, F]
    emb = tables[field_idx, x_cat]      # [B, F, D] gather
    x = emb.reshape(x_cat.shape[0], F * D)  # torch.cat(embeddings, 1)
    # emb_drop: eval mode -> identity
    # bn_cont: eval mode, running_mean=0, running_var=1
    xc = (x_cont - 0.0) / jnp.sqrt(1.0 + EPS) * g_cont + b_cont
    h = jnp.concatenate([x, xc], axis=1)
    # Linear -> ReLU -> BN (eval) -> Dropout (identity)
    h = jnp.maximum(h @ W1 + b1, 0.0)
    h = h / jnp.sqrt(1.0 + EPS) * g1 + beta1
    h = jnp.maximum(h @ W2 + b2, 0.0)
    h = h / jnp.sqrt(1.0 + EPS) * g2 + beta2
    out = h @ Wo + bo
    return out

if __name__ == "__main__":
    import jax
    _d = setup_inputs()
    print(jax.jit(kernel)(*tuple(_d.values())))

</pallas_src>

<mosaic_0001>
#map = affine_map<(d0, d1) -> (0, 0)>
#map1 = affine_map<(d0, d1) -> (0)>
module attributes {stable_mosaic.version = 14 : i64} {
  func.func @gather_kernel(%arg0: i32, %arg1: i32, %arg2: memref<1300000x128xf32, #tpu.memory_space<hbm>>, %arg3: memref<425984xi32, #tpu.memory_space<hbm>>, %arg4: memref<425984x128xf32, #tpu.memory_space<hbm>>, %arg5: memref<13312xi32, #tpu.memory_space<vmem>>, %arg6: memref<416x128xf32, #tpu.memory_space<vmem>>, %arg7: memref<416x128xf32, #tpu.memory_space<vmem>>, %arg8: memref<!tpu.dma_semaphore, #tpu.memory_space<semaphore_mem>>, %arg9: memref<!tpu.dma_semaphore, #tpu.memory_space<semaphore_mem>>) attributes {dimension_semantics = [#tpu.dimension_semantics<core_parallel>, #tpu.dimension_semantics<subcore_parallel>], iteration_bounds = array<i64: 2, 16>, scalar_prefetch = 0 : i64, scratch_operands = 5 : i64, tpu.core_type = #tpu.core_type<sc_vector_subcore>, window_params = [{transform_indices = #map}, {transform_indices = #map1}, {transform_indices = #map}]} {
    %mul3A = arith.constant 2 : i32
    %mul3A_0 = arith.muli %arg1, %mul3A : i32
    %add3A = arith.addi %mul3A_0, %arg0 : i32
    %mul3A_1 = arith.constant 13312 : i32
    %mul3A_2 = arith.muli %add3A, %mul3A_1 : i32
    "tpu.region"() ({
      %run_scoped3A = tpu.sem_alloc : memref<!tpu.dma_semaphore, #tpu.memory_space<semaphore_mem>>
      %dma_start3A_11 = tpu.memref_slice %arg3[%mul3A_2] : memref<425984xi32, #tpu.memory_space<hbm>> -> memref<13312xi32, #tpu.memory_space<hbm>>
      %dma_start3A_12 = tpu.memref_slice %arg3[%mul3A_2] : memref<425984xi32, #tpu.memory_space<hbm>> -> memref<13312xi32, #tpu.memory_space<hbm>>
      tpu.enqueue_dma source(%dma_start3A_12 : memref<13312xi32, #tpu.memory_space<hbm>>) target(%arg5 : memref<13312xi32, #tpu.memory_space<vmem>>) target_semaphore(%run_scoped3A : memref<!tpu.dma_semaphore, #tpu.memory_space<semaphore_mem>>)
      %dma_wait3A = tpu.memref_slice %arg3[%mul3A_2] : memref<425984xi32, #tpu.memory_space<hbm>> -> memref<13312xi32, #tpu.memory_space<hbm>>
      %dma_wait3A_13 = tpu.memref_slice %arg3[%mul3A_2] : memref<425984xi32, #tpu.memory_space<hbm>> -> memref<13312xi32, #tpu.memory_space<hbm>>
      tpu.wait_dma2 semaphore(%run_scoped3A : memref<!tpu.dma_semaphore, #tpu.memory_space<semaphore_mem>>) src(%dma_wait3A_13 : memref<13312xi32, #tpu.memory_space<hbm>>) dst(%arg5 : memref<13312xi32, #tpu.memory_space<vmem>>)
      tpu.yield
    }) : () -> ()
    %dma_start3A = arith.constant 0 : i32
    %dma_start3A_3 = tpu.memref_slice %arg5[%dma_start3A] : memref<13312xi32, #tpu.memory_space<vmem>> -> memref<416xi32, #tpu.memory_space<vmem>>
    %dma_start3A_4 = arith.constant 0 : i32
    %dma_start3A_5 = arith.constant 0 : i32
    %dma_start3A_6 = tpu.memref_slice %arg2[%dma_start3A_4, %dma_start3A_5] : memref<1300000x128xf32, #tpu.memory_space<hbm>> -> memref<1300000x128xf32, #tpu.memory_space<hbm>>
    tpu.enqueue_indirect_dma source(%dma_start3A_6 : memref<1300000x128xf32, #tpu.memory_space<hbm>>) target(%arg6 : memref<416x128xf32, #tpu.memory_space<vmem>>) offsets(%dma_start3A_3 : memref<416xi32, #tpu.memory_space<vmem>>) semaphore(%arg8 : memref<!tpu.dma_semaphore, #tpu.memory_space<semaphore_mem>>)
    %scan3A = arith.constant 0 : i32
    %scan3A_7 = arith.constant 16 : i32
    %scan3A_8 = arith.addi %scan3A, %scan3A_7 : i32
    %scan3A_9 = arith.constant 1 : i32
    scf.for %scan3A_11 = %scan3A to %scan3A_8 step %scan3A_9  : i32 {
      %mul3A_12 = arith.constant 2 : i32
      %mul3A_13 = arith.muli %scan3A_11, %mul3A_12 : i32
      %add3A_14 = arith.constant 0 : i32
      %add3A_15 = arith.addi %add3A_14, %mul3A_13 : i32
      %add3A_16 = arith.constant 1 : i32
      %add3A_17 = arith.addi %add3A_15, %add3A_16 : i32
      %mul3A_18 = arith.constant 416 : i32
      %mul3A_19 = arith.muli %add3A_17, %mul3A_18 : i32
      %dma_start3A_20 = tpu.memref_slice %arg5[%mul3A_19] : memref<13312xi32, #tpu.memory_space<vmem>> -> memref<416xi32, #tpu.memory_space<vmem>>
      %dma_start3A_21 = arith.constant 0 : i32
      %dma_start3A_22 = arith.constant 0 : i32
      %dma_start3A_23 = tpu.memref_slice %arg2[%dma_start3A_21, %dma_start3A_22] : memref<1300000x128xf32, #tpu.memory_space<hbm>> -> memref<1300000x128xf32, #tpu.memory_space<hbm>>
      tpu.enqueue_indirect_dma source(%dma_start3A_23 : memref<1300000x128xf32, #tpu.memory_space<hbm>>) target(%arg7 : memref<416x128xf32, #tpu.memory_space<vmem>>) offsets(%dma_start3A_20 : memref<416xi32, #tpu.memory_space<vmem>>) semaphore(%arg9 : memref<!tpu.dma_semaphore, #tpu.memory_space<semaphore_mem>>)
      %mul3A_24 = arith.constant 416 : i32
      %mul3A_25 = arith.muli %add3A_15, %mul3A_24 : i32
      %dma_wait3A = tpu.memref_slice %arg5[%mul3A_25] : memref<13312xi32, #tpu.memory_space<vmem>> -> memref<416xi32, #tpu.memory_space<vmem>>
      %dma_wait3A_26 = arith.constant 0 : i32
      %dma_wait3A_27 = arith.constant 0 : i32
      %dma_wait3A_28 = tpu.memref_slice %arg2[%dma_wait3A_26, %dma_wait3A_27] : memref<1300000x128xf32, #tpu.memory_space<hbm>> -> memref<1300000x128xf32, #tpu.memory_space<hbm>>
      tpu.wait_indirect_dma semaphore(%arg8 : memref<!tpu.dma_semaphore, #tpu.memory_space<semaphore_mem>>) src(%dma_wait3A_28 : memref<1300000x128xf32, #tpu.memory_space<hbm>>) dst(%arg6 : memref<416x128xf32, #tpu.memory_space<vmem>>)
      %mul3A_29 = arith.constant 416 : i32
      %mul3A_30 = arith.muli %add3A_15, %mul3A_29 : i32
      %add3A_31 = arith.addi %mul3A_2, %mul3A_30 : i32
      "tpu.region"() ({
        %run_scoped3A = tpu.sem_alloc : memref<!tpu.dma_semaphore, #tpu.memory_space<semaphore_mem>>
        %dma_start3A_47 = arith.constant 0 : i32
        %dma_start3A_48 = tpu.memref_slice %arg4[%add3A_31, %dma_start3A_47] : memref<425984x128xf32, #tpu.memory_space<hbm>> -> memref<416x128xf32, #tpu.memory_space<hbm>>
        %dma_start3A_49 = arith.constant 0 : i32
        %dma_start3A_50 = tpu.memref_slice %arg4[%add3A_31, %dma_start3A_49] : memref<425984x128xf32, #tpu.memory_space<hbm>> -> memref<416x128xf32, #tpu.memory_space<hbm>>
        tpu.enqueue_dma source(%arg6 : memref<416x128xf32, #tpu.memory_space<vmem>>) target(%dma_start3A_50 : memref<416x128xf32, #tpu.memory_space<hbm>>) target_semaphore(%run_scoped3A : memref<!tpu.dma_semaphore, #tpu.memory_space<semaphore_mem>>)
        %dma_wait3A_51 = arith.constant 0 : i32
        %dma_wait3A_52 = tpu.memref_slice %arg4[%add3A_31, %dma_wait3A_51] : memref<425984x128xf32, #tpu.memory_space<hbm>> -> memref<416x128xf32, #tpu.memory_space<hbm>>
        %dma_wait3A_53 = arith.constant 0 : i32
        %dma_wait3A_54 = tpu.memref_slice %arg4[%add3A_31, %dma_wait3A_53] : memref<425984x128xf32, #tpu.memory_space<hbm>> -> memref<416x128xf32, #tpu.memory_space<hbm>>
        tpu.wait_dma2 semaphore(%run_scoped3A : memref<!tpu.dma_semaphore, #tpu.memory_space<semaphore_mem>>) src(%arg6 : memref<416x128xf32, #tpu.memory_space<vmem>>) dst(%dma_wait3A_54 : memref<416x128xf32, #tpu.memory_space<hbm>>)
        tpu.yield
      }) : () -> ()
      %add3A_32 = arith.constant 2 : i32
      %add3A_33 = arith.addi %add3A_15, %add3A_32 : i32
      %lt3A = arith.constant 32 : i32
      %lt3A_34 = arith.cmpi slt, %add3A_33, %lt3A : i32
      %convert_element_type3A = arith.extui %lt3A_34 : i1 to i32
      %cond3A = arith.constant 0 : i32
      %cond3A_35 = arith.cmpi ne, %convert_element_type3A, %cond3A : i32
      scf.if %cond3A_35 {
        %add3A_47 = arith.constant 2 : i32
        %add3A_48 = arith.addi %add3A_15, %add3A_47 : i32
        %mul3A_49 = arith.constant 416 : i32
        %mul3A_50 = arith.muli %add3A_48, %mul3A_49 : i32
        %dma_start3A_51 = tpu.memref_slice %arg5[%mul3A_50] : memref<13312xi32, #tpu.memory_space<vmem>> -> memref<416xi32, #tpu.memory_space<vmem>>
        %dma_start3A_52 = arith.constant 0 : i32
        %dma_start3A_53 = arith.constant 0 : i32
        %dma_start3A_54 = tpu.memref_slice %arg2[%dma_start3A_52, %dma_start3A_53] : memref<1300000x128xf32, #tpu.memory_space<hbm>> -> memref<1300000x128xf32, #tpu.memory_space<hbm>>
        tpu.enqueue_indirect_dma source(%dma_start3A_54 : memref<1300000x128xf32, #tpu.memory_space<hbm>>) target(%arg6 : memref<416x128xf32, #tpu.memory_space<vmem>>) offsets(%dma_start3A_51 : memref<416xi32, #tpu.memory_space<vmem>>) semaphore(%arg8 : memref<!tpu.dma_semaphore, #tpu.memory_space<semaphore_mem>>)
      } else {
      }
      %add3A_36 = arith.constant 1 : i32
      %add3A_37 = arith.addi %add3A_15, %add3A_36 : i32
      %mul3A_38 = arith.constant 416 : i32
      %mul3A_39 = arith.muli %add3A_37, %mul3A_38 : i32
      %dma_wait3A_40 = tpu.memref_slice %arg5[%mul3A_39] : memref<13312xi32, #tpu.memory_space<vmem>> -> memref<416xi32, #tpu.memory_space<vmem>>
      %dma_wait3A_41 = arith.constant 0 : i32
      %dma_wait3A_42 = arith.constant 0 : i32
      %dma_wait3A_43 = tpu.memref_slice %arg2[%dma_wait3A_41, %dma_wait3A_42] : memref<1300000x128xf32, #tpu.memory_space<hbm>> -> memref<1300000x128xf32, #tpu.memory_space<hbm>>
      tpu.wait_indirect_dma semaphore(%arg9 : memref<!tpu.dma_semaphore, #tpu.memory_space<semaphore_mem>>) src(%dma_wait3A_43 : memref<1300000x128xf32, #tpu.memory_space<hbm>>) dst(%arg7 : memref<416x128xf32, #tpu.memory_space<vmem>>)
      %mul3A_44 = arith.constant 416 : i32
      %mul3A_45 = arith.muli %add3A_37, %mul3A_44 : i32
      %add3A_46 = arith.addi %mul3A_2, %mul3A_45 : i32
      "tpu.region"() ({
        %run_scoped3A = tpu.sem_alloc : memref<!tpu.dma_semaphore, #tpu.memory_space<semaphore_mem>>
        %dma_start3A_47 = arith.constant 0 : i32
        %dma_start3A_48 = tpu.memref_slice %arg4[%add3A_46, %dma_start3A_47] : memref<425984x128xf32, #tpu.memory_space<hbm>> -> memref<416x128xf32, #tpu.memory_space<hbm>>
        %dma_start3A_49 = arith.constant 0 : i32
        %dma_start3A_50 = tpu.memref_slice %arg4[%add3A_46, %dma_start3A_49] : memref<425984x128xf32, #tpu.memory_space<hbm>> -> memref<416x128xf32, #tpu.memory_space<hbm>>
        tpu.enqueue_dma source(%arg7 : memref<416x128xf32, #tpu.memory_space<vmem>>) target(%dma_start3A_50 : memref<416x128xf32, #tpu.memory_space<hbm>>) target_semaphore(%run_scoped3A : memref<!tpu.dma_semaphore, #tpu.memory_space<semaphore_mem>>)
        %dma_wait3A_51 = arith.constant 0 : i32
        %dma_wait3A_52 = tpu.memref_slice %arg4[%add3A_46, %dma_wait3A_51] : memref<425984x128xf32, #tpu.memory_space<hbm>> -> memref<416x128xf32, #tpu.memory_space<hbm>>
        %dma_wait3A_53 = arith.constant 0 : i32
        %dma_wait3A_54 = tpu.memref_slice %arg4[%add3A_46, %dma_wait3A_53] : memref<425984x128xf32, #tpu.memory_space<hbm>> -> memref<416x128xf32, #tpu.memory_space<hbm>>
        tpu.wait_dma2 semaphore(%run_scoped3A : memref<!tpu.dma_semaphore, #tpu.memory_space<semaphore_mem>>) src(%arg7 : memref<416x128xf32, #tpu.memory_space<vmem>>) dst(%dma_wait3A_54 : memref<416x128xf32, #tpu.memory_space<hbm>>)
        tpu.yield
      }) : () -> ()
    }
    %scan3A_10 = arith.constant 16 : i32
    return
  }
}

module attributes {stable_mosaic.version = 14 : i64} {
  func.func @_mlp_body(%arg0: i32, %arg1: memref<26x1024x128xf32, #tpu.memory_space<vmem>>, %arg2: memref<1024x13xf32, #tpu.memory_space<vmem>>, %arg3: memref<1x13xf32, #tpu.memory_space<vmem>>, %arg4: memref<1x13xf32, #tpu.memory_space<vmem>>, %arg5: memref<3328x512xf32, #tpu.memory_space<vmem>>, %arg6: memref<13x512xf32, #tpu.memory_space<vmem>>, %arg7: memref<1x512xf32, #tpu.memory_space<vmem>>, %arg8: memref<1x512xf32, #tpu.memory_space<vmem>>, %arg9: memref<1x512xf32, #tpu.memory_space<vmem>>, %arg10: memref<512x256xf32, #tpu.memory_space<vmem>>, %arg11: memref<1x256xf32, #tpu.memory_space<vmem>>, %arg12: memref<1x256xf32, #tpu.memory_space<vmem>>, %arg13: memref<1x256xf32, #tpu.memory_space<vmem>>, %arg14: memref<256x1xf32, #tpu.memory_space<vmem>>, %arg15: memref<1x1xf32, #tpu.memory_space<vmem>>, %arg16: memref<1024x1xf32, #tpu.memory_space<vmem>>) attributes {dimension_semantics = [#tpu.dimension_semantics<arbitrary>], iteration_bounds = array<i64: 16>, scalar_prefetch = 0 : i64, scratch_operands = 0 : i64, tpu.core_type = #tpu.core_type<tc>, window_params = [{transform_indices = @transform_0, window_bounds = array<i64: 26, 1024, 128>}, {transform_indices = @transform_1, window_bounds = array<i64: 1024, 13>}, {pipeline_mode = #tpu.pipeline_mode<synchronous>, transform_indices = @transform_2, window_bounds = array<i64: 1, 13>}, {pipeline_mode = #tpu.pipeline_mode<synchronous>, transform_indices = @transform_3, window_bounds = array<i64: 1, 13>}, {pipeline_mode = #tpu.pipeline_mode<synchronous>, transform_indices = @transform_4, window_bounds = array<i64: 3328, 512>}, {pipeline_mode = #tpu.pipeline_mode<synchronous>, transform_indices = @transform_5, window_bounds = array<i64: 13, 512>}, {pipeline_mode = #tpu.pipeline_mode<synchronous>, transform_indices = @transform_6, window_bounds = array<i64: 1, 512>}, {pipeline_mode = #tpu.pipeline_mode<synchronous>, transform_indices = @transform_7, window_bounds = array<i64: 1, 512>}, {pipeline_mode = #tpu.pipeline_mode<synchronous>, transform_indices = @transform_8, window_bounds = array<i64: 1, 512>}, {pipeline_mode = #tpu.pipeline_mode<synchronous>, transform_indices = @transform_9, window_bounds = array<i64: 512, 256>}, {pipeline_mode = #tpu.pipeline_mode<synchronous>, transform_indices = @transform_10, window_bounds = array<i64: 1, 256>}, {pipeline_mode = #tpu.pipeline_mode<synchronous>, transform_indices = @transform_11, window_bounds = array<i64: 1, 256>}, {pipeline_mode = #tpu.pipeline_mode<synchronous>, transform_indices = @transform_12, window_bounds = array<i64: 1, 256>}, {pipeline_mode = #tpu.pipeline_mode<synchronous>, transform_indices = @transform_13, window_bounds = array<i64: 256, 1>}, {pipeline_mode = #tpu.pipeline_mode<synchronous>, transform_indices = @transform_14, window_bounds = array<i64: 1, 1>}, {transform_indices = @transform_15, window_bounds = array<i64: 1024, 1>}]} {
    %sqrt3A = arith.constant 1.000010e+00 : f32
    %sqrt3A_0 = math.sqrt %sqrt3A : f32
    %div3A = arith.constant 1.000000e+00 : f32
    %div3A_1 = arith.divf %div3A, %sqrt3A_0 : f32
    %get3A = arith.constant 0 : index
    %get3A_2 = arith.constant 0 : index
    %get3A_3 = vector.load %arg2[%get3A, %get3A_2] : memref<1024x13xf32, #tpu.memory_space<vmem>>, vector<1024x13xf32>
    %get3A_4 = arith.constant 0 : index
    %get3A_5 = arith.constant 0 : index
    %get3A_6 = vector.load %arg3[%get3A_4, %get3A_5] : memref<1x13xf32, #tpu.memory_space<vmem>>, vector<1x13xf32>
    %mul3A = vector.broadcast %div3A_1 : f32 to vector<1x13xf32>
    %mul3A_7 = arith.mulf %get3A_6, %mul3A : vector<1x13xf32>
    %mul3A_8 = vector.broadcast %mul3A_7 : vector<1x13xf32> to vector<1024x13xf32>
    %mul3A_9 = arith.mulf %get3A_3, %mul3A_8 : vector<1024x13xf32>
    %get3A_10 = arith.constant 0 : index
    %get3A_11 = arith.constant 0 : index
    %get3A_12 = vector.load %arg4[%get3A_10, %get3A_11] : memref<1x13xf32, #tpu.memory_space<vmem>>, vector<1x13xf32>
    %add3A = vector.broadcast %get3A_12 : vector<1x13xf32> to vector<1024x13xf32>
    %add3A_13 = arith.addf %mul3A_9, %add3A : vector<1024x13xf32>
    %get3A_14 = arith.constant 0 : index
    %get3A_15 = arith.constant 0 : index
    %get3A_16 = arith.constant 0 : index
    %get3A_17 = vector.load %arg1[%get3A_14, %get3A_15, %get3A_16] : memref<26x1024x128xf32, #tpu.memory_space<vmem>>, vector<1x1024x128xf32>
    %get3A_18 = vector.shape_cast %get3A_17 : vector<1x1024x128xf32> to vector<1024x128xf32>
    %get3A_19 = arith.constant 1 : index
    %get3A_20 = arith.constant 0 : index
    %get3A_21 = arith.constant 0 : index
    %get3A_22 = vector.load %arg1[%get3A_19, %get3A_20, %get3A_21] : memref<26x1024x128xf32, #tpu.memory_space<vmem>>, vector<1x1024x128xf32>
    %get3A_23 = vector.shape_cast %get3A_22 : vector<1x1024x128xf32> to vector<1024x128xf32>
    %get3A_24 = arith.constant 2 : index
    %get3A_25 = arith.constant 0 : index
    %get3A_26 = arith.constant 0 : index
    %get3A_27 = vector.load %arg1[%get3A_24, %get3A_25, %get3A_26] : memref<26x1024x128xf32, #tpu.memory_space<vmem>>, vector<1x1024x128xf32>
    %get3A_28 = vector.shape_cast %get3A_27 : vector<1x1024x128xf32> to vector<1024x128xf32>
    %get3A_29 = arith.constant 3 : index
    %get3A_30 = arith.constant 0 : index
    %get3A_31 = arith.constant 0 : index
    %get3A_32 = vector.load %arg1[%get3A_29, %get3A_30, %get3A_31] : memref<26x1024x128xf32, #tpu.memory_space<vmem>>, vector<1x1024x128xf32>
    %get3A_33 = vector.shape_cast %get3A_32 : vector<1x1024x128xf32> to vector<1024x128xf32>
    %get3A_34 = arith.constant 4 : index
    %get3A_35 = arith.constant 0 : index
    %get3A_36 = arith.constant 0 : index
    %get3A_37 = vector.load %arg1[%get3A_34, %get3A_35, %get3A_36] : memref<26x1024x128xf32, #tpu.memory_space<vmem>>, vector<1x1024x128xf32>
    %get3A_38 = vector.shape_cast %get3A_37 : vector<1x1024x128xf32> to vector<1024x128xf32>
    %get3A_39 = arith.constant 5 : index
    %get3A_40 = arith.constant 0 : index
    %get3A_41 = arith.constant 0 : index
    %get3A_42 = vector.load %arg1[%get3A_39, %get3A_40, %get3A_41] : memref<26x1024x128xf32, #tpu.memory_space<vmem>>, vector<1x1024x128xf32>
    %get3A_43 = vector.shape_cast %get3A_42 : vector<1x1024x128xf32> to vector<1024x128xf32>
    %get3A_44 = arith.constant 6 : index
    %get3A_45 = arith.constant 0 : index
    %get3A_46 = arith.constant 0 : index
    %get3A_47 = vector.load %arg1[%get3A_44, %get3A_45, %get3A_46] : memref<26x1024x128xf32, #tpu.memory_space<vmem>>, vector<1x1024x128xf32>
    %get3A_48 = vector.shape_cast %get3A_47 : vector<1x1024x128xf32> to vector<1024x128xf32>
    %get3A_49 = arith.constant 7 : index
    %get3A_50 = arith.constant 0 : index
    %get3A_51 = arith.constant 0 : index
    %get3A_52 = vector.load %arg1[%get3A_49, %get3A_50, %get3A_51] : memref<26x1024x128xf32, #tpu.memory_space<vmem>>, vector<1x1024x128xf32>
    %get3A_53 = vector.shape_cast %get3A_52 : vector<1x1024x128xf32> to vector<1024x128xf32>
    %get3A_54 = arith.constant 8 : index
    %get3A_55 = arith.constant 0 : index
    %get3A_56 = arith.constant 0 : index
    %get3A_57 = vector.load %arg1[%get3A_54, %get3A_55, %get3A_56] : memref<26x1024x128xf32, #tpu.memory_space<vmem>>, vector<1x1024x128xf32>
    %get3A_58 = vector.shape_cast %get3A_57 : vector<1x1024x128xf32> to vector<1024x128xf32>
    %get3A_59 = arith.constant 9 : index
    %get3A_60 = arith.constant 0 : index
    %get3A_61 = arith.constant 0 : index
    %get3A_62 = vector.load %arg1[%get3A_59, %get3A_60, %get3A_61] : memref<26x1024x128xf32, #tpu.memory_space<vmem>>, vector<1x1024x128xf32>
    %get3A_63 = vector.shape_cast %get3A_62 : vector<1x1024x128xf32> to vector<1024x128xf32>
    %get3A_64 = arith.constant 10 : index
    %get3A_65 = arith.constant 0 : index
    %get3A_66 = arith.constant 0 : index
    %get3A_67 = vector.load %arg1[%get3A_64, %get3A_65, %get3A_66] : memref<26x1024x128xf32, #tpu.memory_space<vmem>>, vector<1x1024x128xf32>
    %get3A_68 = vector.shape_cast %get3A_67 : vector<1x1024x128xf32> to vector<1024x128xf32>
    %get3A_69 = arith.constant 11 : index
    %get3A_70 = arith.constant 0 : index
    %get3A_71 = arith.constant 0 : index
    %get3A_72 = vector.load %arg1[%get3A_69, %get3A_70, %get3A_71] : memref<26x1024x128xf32, #tpu.memory_space<vmem>>, vector<1x1024x128xf32>
    %get3A_73 = vector.shape_cast %get3A_72 : vector<1x1024x128xf32> to vector<1024x128xf32>
    %get3A_74 = arith.constant 12 : index
    %get3A_75 = arith.constant 0 : index
    %get3A_76 = arith.constant 0 : index
    %get3A_77 = vector.load %arg1[%get3A_74, %get3A_75, %get3A_76] : memref<26x1024x128xf32, #tpu.memory_space<vmem>>, vector<1x1024x128xf32>
    %get3A_78 = vector.shape_cast %get3A_77 : vector<1x1024x128xf32> to vector<1024x128xf32>
    %get3A_79 = arith.constant 13 : index
    %get3A_80 = arith.constant 0 : index
    %get3A_81 = arith.constant 0 : index
    %get3A_82 = vector.load %arg1[%get3A_79, %get3A_80, %get3A_81] : memref<26x1024x128xf32, #tpu.memory_space<vmem>>, vector<1x1024x128xf32>
    %get3A_83 = vector.shape_cast %get3A_82 : vector<1x1024x128xf32> to vector<1024x128xf32>
    %get3A_84 = arith.constant 14 : index
    %get3A_85 = arith.constant 0 : index
    %get3A_86 = arith.constant 0 : index
    %get3A_87 = vector.load %arg1[%get3A_84, %get3A_85, %get3A_86] : memref<26x1024x128xf32, #tpu.memory_space<vmem>>, vector<1x1024x128xf32>
    %get3A_88 = vector.shape_cast %get3A_87 : vector<1x1024x128xf32> to vector<1024x128xf32>
    %get3A_89 = arith.constant 15 : index
    %get3A_90 = arith.constant 0 : index
    %get3A_91 = arith.constant 0 : index
    %get3A_92 = vector.load %arg1[%get3A_89, %get3A_90, %get3A_91] : memref<26x1024x128xf32, #tpu.memory_space<vmem>>, vector<1x1024x128xf32>
    %get3A_93 = vector.shape_cast %get3A_92 : vector<1x1024x128xf32> to vector<1024x128xf32>
    %get3A_94 = arith.constant 16 : index
    %get3A_95 = arith.constant 0 : index
    %get3A_96 = arith.constant 0 : index
    %get3A_97 = vector.load %arg1[%get3A_94, %get3A_95, %get3A_96] : memref<26x1024x128xf32, #tpu.memory_space<vmem>>, vector<1x1024x128xf32>
    %get3A_98 = vector.shape_cast %get3A_97 : vector<1x1024x128xf32> to vector<1024x128xf32>
    %get3A_99 = arith.constant 17 : index
    %get3A_100 = arith.constant 0 : index
    %get3A_101 = arith.constant 0 : index
    %get3A_102 = vector.load %arg1[%get3A_99, %get3A_100, %get3A_101] : memref<26x1024x128xf32, #tpu.memory_space<vmem>>, vector<1x1024x128xf32>
    %get3A_103 = vector.shape_cast %get3A_102 : vector<1x1024x128xf32> to vector<1024x128xf32>
    %get3A_104 = arith.constant 18 : index
    %get3A_105 = arith.constant 0 : index
    %get3A_106 = arith.constant 0 : index
    %get3A_107 = vector.load %arg1[%get3A_104, %get3A_105, %get3A_106] : memref<26x1024x128xf32, #tpu.memory_space<vmem>>, vector<1x1024x128xf32>
    %get3A_108 = vector.shape_cast %get3A_107 : vector<1x1024x128xf32> to vector<1024x128xf32>
    %get3A_109 = arith.constant 19 : index
    %get3A_110 = arith.constant 0 : index
    %get3A_111 = arith.constant 0 : index
    %get3A_112 = vector.load %arg1[%get3A_109, %get3A_110, %get3A_111] : memref<26x1024x128xf32, #tpu.memory_space<vmem>>, vector<1x1024x128xf32>
    %get3A_113 = vector.shape_cast %get3A_112 : vector<1x1024x128xf32> to vector<1024x128xf32>
    %get3A_114 = arith.constant 20 : index
    %get3A_115 = arith.constant 0 : index
    %get3A_116 = arith.constant 0 : index
    %get3A_117 = vector.load %arg1[%get3A_114, %get3A_115, %get3A_116] : memref<26x1024x128xf32, #tpu.memory_space<vmem>>, vector<1x1024x128xf32>
    %get3A_118 = vector.shape_cast %get3A_117 : vector<1x1024x128xf32> to vector<1024x128xf32>
    %get3A_119 = arith.constant 21 : index
    %get3A_120 = arith.constant 0 : index
    %get3A_121 = arith.constant 0 : index
    %get3A_122 = vector.load %arg1[%get3A_119, %get3A_120, %get3A_121] : memref<26x1024x128xf32, #tpu.memory_space<vmem>>, vector<1x1024x128xf32>
    %get3A_123 = vector.shape_cast %get3A_122 : vector<1x1024x128xf32> to vector<1024x128xf32>
    %get3A_124 = arith.constant 22 : index
    %get3A_125 = arith.constant 0 : index
    %get3A_126 = arith.constant 0 : index
    %get3A_127 = vector.load %arg1[%get3A_124, %get3A_125, %get3A_126] : memref<26x1024x128xf32, #tpu.memory_space<vmem>>, vector<1x1024x128xf32>
    %get3A_128 = vector.shape_cast %get3A_127 : vector<1x1024x128xf32> to vector<1024x128xf32>
    %get3A_129 = arith.constant 23 : index
    %get3A_130 = arith.constant 0 : index
    %get3A_131 = arith.constant 0 : index
    %get3A_132 = vector.load %arg1[%get3A_129, %get3A_130, %get3A_131] : memref<26x1024x128xf32, #tpu.memory_space<vmem>>, vector<1x1024x128xf32>
    %get3A_133 = vector.shape_cast %get3A_132 : vector<1x1024x128xf32> to vector<1024x128xf32>
    %get3A_134 = arith.constant 24 : index
    %get3A_135 = arith.constant 0 : index
    %get3A_136 = arith.constant 0 : index
    %get3A_137 = vector.load %arg1[%get3A_134, %get3A_135, %get3A_136] : memref<26x1024x128xf32, #tpu.memory_space<vmem>>, vector<1x1024x128xf32>
    %get3A_138 = vector.shape_cast %get3A_137 : vector<1x1024x128xf32> to vector<1024x128xf32>
    %get3A_139 = arith.constant 25 : index
    %get3A_140 = arith.constant 0 : index
    %get3A_141 = arith.constant 0 : index
    %get3A_142 = vector.load %arg1[%get3A_139, %get3A_140, %get3A_141] : memref<26x1024x128xf32, #tpu.memory_space<vmem>>, vector<1x1024x128xf32>
    %get3A_143 = vector.shape_cast %get3A_142 : vector<1x1024x128xf32> to vector<1024x128xf32>
    %concatenate3A = tpu.concatenate %get3A_18, %get3A_23, %get3A_28, %get3A_33, %get3A_38, %get3A_43, %get3A_48, %get3A_53, %get3A_58, %get3A_63, %get3A_68, %get3A_73, %get3A_78, %get3A_83, %get3A_88, %get3A_93, %get3A_98, %get3A_103, %get3A_108, %get3A_113, %get3A_118, %get3A_123, %get3A_128, %get3A_133, %get3A_138, %get3A_143 in 1 : vector<1024x128xf32>, vector<1024x128xf32>, vector<1024x128xf32>, vector<1024x128xf32>, vector<1024x128xf32>, vector<1024x128xf32>, vector<1024x128xf32>, vector<1024x128xf32>, vector<1024x128xf32>, vector<1024x128xf32>, vector<1024x128xf32>, vector<1024x128xf32>, vector<1024x128xf32>, vector<1024x128xf32>, vector<1024x128xf32>, vector<1024x128xf32>, vector<1024x128xf32>, vector<1024x128xf32>, vector<1024x128xf32>, vector<1024x128xf32>, vector<1024x128xf32>, vector<1024x128xf32>, vector<1024x128xf32>, vector<1024x128xf32>, vector<1024x128xf32>, vector<1024x128xf32> -> vector<1024x3328xf32>
    %get3A_144 = arith.constant 0 : index
    %get3A_145 = arith.constant 0 : index
    %get3A_146 = vector.load %arg5[%get3A_144, %get3A_145] : memref<3328x512xf32, #tpu.memory_space<vmem>>, vector<3328x512xf32>
    %dot_general3A = arith.constant dense<0.000000e+00> : vector<1024x512xf32>
    %dot_general3A_147 = tpu.matmul %concatenate3A, %get3A_146, %dot_general3A {dimension_numbers = #tpu.dot_dimension_numbers<[1], [0], [0], [1], [0, 0, 1, 1], [], []>, transpose_lhs_hint = false} : vector<1024x3328xf32>, vector<3328x512xf32>, vector<1024x512xf32> -> vector<1024x512xf32>
    %get3A_148 = arith.constant 0 : index
    %get3A_149 = arith.constant 0 : index
    %get3A_150 = vector.load %arg6[%get3A_148, %get3A_149] : memref<13x512xf32, #tpu.memory_space<vmem>>, vector<13x512xf32>
    %dot_general3A_151 = arith.constant dense<0.000000e+00> : vector<1024x512xf32>
    %dot_general3A_152 = tpu.matmul %add3A_13, %get3A_150, %dot_general3A_151 {dimension_numbers = #tpu.dot_dimension_numbers<[1], [0], [0], [1], [0, 0, 1, 1], [], []>, transpose_lhs_hint = false} : vector<1024x13xf32>, vector<13x512xf32>, vector<1024x512xf32> -> vector<1024x512xf32>
    %add3A_153 = arith.addf %dot_general3A_147, %dot_general3A_152 : vector<1024x512xf32>
    %get3A_154 = arith.constant 0 : index
    %get3A_155 = arith.constant 0 : index
    %get3A_156 = vector.load %arg7[%get3A_154, %get3A_155] : memref<1x512xf32, #tpu.memory_space<vmem>>, vector<1x512xf32>
    %add3A_157 = vector.broadcast %get3A_156 : vector<1x512xf32> to vector<1024x512xf32>
    %add3A_158 = arith.addf %add3A_153, %add3A_157 : vector<1024x512xf32>
    %max3A = arith.constant 0.000000e+00 : f32
    %max3A_159 = vector.broadcast %max3A : f32 to vector<1024x512xf32>
    %max3A_160 = arith.maximumf %add3A_158, %max3A_159 : vector<1024x512xf32>
    %get3A_161 = arith.constant 0 : index
    %get3A_162 = arith.constant 0 : index
    %get3A_163 = vector.load %arg8[%get3A_161, %get3A_162] : memref<1x512xf32, #tpu.memory_space<vmem>>, vector<1x512xf32>
    %mul3A_164 = vector.broadcast %div3A_1 : f32 to vector<1x512xf32>
    %mul3A_165 = arith.mulf %get3A_163, %mul3A_164 : vector<1x512xf32>
    %mul3A_166 = vector.broadcast %mul3A_165 : vector<1x512xf32> to vector<1024x512xf32>
    %mul3A_167 = arith.mulf %max3A_160, %mul3A_166 : vector<1024x512xf32>
    %get3A_168 = arith.constant 0 : index
    %get3A_169 = arith.constant 0 : index
    %get3A_170 = vector.load %arg9[%get3A_168, %get3A_169] : memref<1x512xf32, #tpu.memory_space<vmem>>, vector<1x512xf32>
    %add3A_171 = vector.broadcast %get3A_170 : vector<1x512xf32> to vector<1024x512xf32>
    %add3A_172 = arith.addf %mul3A_167, %add3A_171 : vector<1024x512xf32>
    %get3A_173 = arith.constant 0 : index
    %get3A_174 = arith.constant 0 : index
    %get3A_175 = vector.load %arg10[%get3A_173, %get3A_174] : memref<512x256xf32, #tpu.memory_space<vmem>>, vector<512x256xf32>
    %dot_general3A_176 = arith.constant dense<0.000000e+00> : vector<1024x256xf32>
    %dot_general3A_177 = tpu.matmul %add3A_172, %get3A_175, %dot_general3A_176 {dimension_numbers = #tpu.dot_dimension_numbers<[1], [0], [0], [1], [0, 0, 1, 1], [], []>, transpose_lhs_hint = false} : vector<1024x512xf32>, vector<512x256xf32>, vector<1024x256xf32> -> vector<1024x256xf32>
    %get3A_178 = arith.constant 0 : index
    %get3A_179 = arith.constant 0 : index
    %get3A_180 = vector.load %arg11[%get3A_178, %get3A_179] : memref<1x256xf32, #tpu.memory_space<vmem>>, vector<1x256xf32>
    %add3A_181 = vector.broadcast %get3A_180 : vector<1x256xf32> to vector<1024x256xf32>
    %add3A_182 = arith.addf %dot_general3A_177, %add3A_181 : vector<1024x256xf32>
    %max3A_183 = arith.constant 0.000000e+00 : f32
    %max3A_184 = vector.broadcast %max3A_183 : f32 to vector<1024x256xf32>
    %max3A_185 = arith.maximumf %add3A_182, %max3A_184 : vector<1024x256xf32>
    %get3A_186 = arith.constant 0 : index
    %get3A_187 = arith.constant 0 : index
    %get3A_188 = vector.load %arg12[%get3A_186, %get3A_187] : memref<1x256xf32, #tpu.memory_space<vmem>>, vector<1x256xf32>
    %mul3A_189 = vector.broadcast %div3A_1 : f32 to vector<1x256xf32>
    %mul3A_190 = arith.mulf %get3A_188, %mul3A_189 : vector<1x256xf32>
    %mul3A_191 = vector.broadcast %mul3A_190 : vector<1x256xf32> to vector<1024x256xf32>
    %mul3A_192 = arith.mulf %max3A_185, %mul3A_191 : vector<1024x256xf32>
    %get3A_193 = arith.constant 0 : index
    %get3A_194 = arith.constant 0 : index
    %get3A_195 = vector.load %arg13[%get3A_193, %get3A_194] : memref<1x256xf32, #tpu.memory_space<vmem>>, vector<1x256xf32>
    %add3A_196 = vector.broadcast %get3A_195 : vector<1x256xf32> to vector<1024x256xf32>
    %add3A_197 = arith.addf %mul3A_192, %add3A_196 : vector<1024x256xf32>
    %get3A_198 = arith.constant 0 : index
    %get3A_199 = arith.constant 0 : index
    %get3A_200 = vector.load %arg14[%get3A_198, %get3A_199] : memref<256x1xf32, #tpu.memory_space<vmem>>, vector<256x1xf32>
    %dot_general3A_201 = arith.constant dense<0.000000e+00> : vector<1024x1xf32>
    %dot_general3A_202 = tpu.matmul %add3A_197, %get3A_200, %dot_general3A_201 {dimension_numbers = #tpu.dot_dimension_numbers<[1], [0], [0], [1], [0, 0, 1, 1], [], []>, transpose_lhs_hint = false} : vector<1024x256xf32>, vector<256x1xf32>, vector<1024x1xf32> -> vector<1024x1xf32>
    %get3A_203 = arith.constant 0 : index
    %get3A_204 = arith.constant 0 : index
    %get3A_205 = vector.load %arg15[%get3A_203, %get3A_204] : memref<1x1xf32, #tpu.memory_space<vmem>>, vector<1x1xf32>
    %add3A_206 = vector.broadcast %get3A_205 : vector<1x1xf32> to vector<1024x1xf32>
    %add3A_207 = arith.addf %dot_general3A_202, %add3A_206 : vector<1024x1xf32>
    %swap3A = arith.constant 0 : index
    %swap3A_208 = arith.constant 0 : index
    %swap3A_209 = vector.load %arg16[%swap3A, %swap3A_208] : memref<1024x1xf32, #tpu.memory_space<vmem>>, vector<1024x1xf32>
    tpu.vector_store %arg16[%swap3A, %swap3A_208], %add3A_207 {strides = array<i32>} : memref<1024x1xf32, #tpu.memory_space<vmem>>, vector<1024x1xf32>,
    return
  }
  func.func @transform_0(%arg0: i32) -> (i32, i32, i32) {
    %c0_i32 = arith.constant 0 : i32
    %c0_i32_0 = arith.constant 0 : i32
    %c0_i32_1 = arith.constant 0 : i32
    return %c0_i32, %arg0, %c0_i32_0 : i32, i32, i32
  }
  func.func @transform_1(%arg0: i32) -> (i32, i32) {
    %c0_i32 = arith.constant 0 : i32
    %c0_i32_0 = arith.constant 0 : i32
    return %arg0, %c0_i32 : i32, i32
  }
  func.func @transform_2(%arg0: i32) -> (i32, i32) {
    %c0_i32 = arith.constant 0 : i32
    %c0_i32_0 = arith.constant 0 : i32
    %c0_i32_1 = arith.constant 0 : i32
    return %c0_i32, %c0_i32_0 : i32, i32
  }
  func.func @transform_3(%arg0: i32) -> (i32, i32) {
    %c0_i32 = arith.constant 0 : i32
    %c0_i32_0 = arith.constant 0 : i32
    %c0_i32_1 = arith.constant 0 : i32
    return %c0_i32, %c0_i32_0 : i32, i32
  }
  func.func @transform_4(%arg0: i32) -> (i32, i32) {
    %c0_i32 = arith.constant 0 : i32
    %c0_i32_0 = arith.constant 0 : i32
    %c0_i32_1 = arith.constant 0 : i32
    return %c0_i32, %c0_i32_0 : i32, i32
  }
  func.func @transform_5(%arg0: i32) -> (i32, i32) {
    %c0_i32 = arith.constant 0 : i32
    %c0_i32_0 = arith.constant 0 : i32
    %c0_i32_1 = arith.constant 0 : i32
    return %c0_i32, %c0_i32_0 : i32, i32
  }
  func.func @transform_6(%arg0: i32) -> (i32, i32) {
    %c0_i32 = arith.constant 0 : i32
    %c0_i32_0 = arith.constant 0 : i32
    %c0_i32_1 = arith.constant 0 : i32
    return %c0_i32, %c0_i32_0 : i32, i32
  }
  func.func @transform_7(%arg0: i32) -> (i32, i32) {
    %c0_i32 = arith.constant 0 : i32
    %c0_i32_0 = arith.constant 0 : i32
    %c0_i32_1 = arith.constant 0 : i32
    return %c0_i32, %c0_i32_0 : i32, i32
  }
  func.func @transform_8(%arg0: i32) -> (i32, i32) {
    %c0_i32 = arith.constant 0 : i32
    %c0_i32_0 = arith.constant 0 : i32
    %c0_i32_1 = arith.constant 0 : i32
    return %c0_i32, %c0_i32_0 : i32, i32
  }
  func.func @transform_9(%arg0: i32) -> (i32, i32) {
    %c0_i32 = arith.constant 0 : i32
    %c0_i32_0 = arith.constant 0 : i32
    %c0_i32_1 = arith.constant 0 : i32
    return %c0_i32, %c0_i32_0 : i32, i32
  }
  func.func @transform_10(%arg0: i32) -> (i32, i32) {
    %c0_i32 = arith.constant 0 : i32
    %c0_i32_0 = arith.constant 0 : i32
    %c0_i32_1 = arith.constant 0 : i32
    return %c0_i32, %c0_i32_0 : i32, i32
  }
  func.func @transform_11(%arg0: i32) -> (i32, i32) {
    %c0_i32 = arith.constant 0 : i32
    %c0_i32_0 = arith.constant 0 : i32
    %c0_i32_1 = arith.constant 0 : i32
    return %c0_i32, %c0_i32_0 : i32, i32
  }
  func.func @transform_12(%arg0: i32) -> (i32, i32) {
    %c0_i32 = arith.constant 0 : i32
    %c0_i32_0 = arith.constant 0 : i32
    %c0_i32_1 = arith.constant 0 : i32
    return %c0_i32, %c0_i32_0 : i32, i32
  }
  func.func @transform_13(%arg0: i32) -> (i32, i32) {
    %c0_i32 = arith.constant 0 : i32
    %c0_i32_0 = arith.constant 0 : i32
    %c0_i32_1 = arith.constant 0 : i32
    return %c0_i32, %c0_i32_0 : i32, i32
  }
  func.func @transform_14(%arg0: i32) -> (i32, i32) {
    %c0_i32 = arith.constant 0 : i32
    %c0_i32_0 = arith.constant 0 : i32
    %c0_i32_1 = arith.constant 0 : i32
    return %c0_i32, %c0_i32_0 : i32, i32
  }
  func.func @transform_15(%arg0: i32) -> (i32, i32) {
    %c0_i32 = arith.constant 0 : i32
    %c0_i32_0 = arith.constant 0 : i32
    return %arg0, %c0_i32 : i32, i32
  }
}

</mosaic_0001>

<sc_bundles>
// kernel: kernel.4.cloned.1.call-start
scs
__scs_entry_jumppad:
0x0: {  	(pc) =	sbr.rel $0x88, $3  }
0x1: {  	(tag) =	ssettag $0x0;
	lr =	simm.s32 $0x1  }
0x2: {  	[smem:$0x3F92] =	sst lr;
	_ =	strace $0xD0000000  }
0x3: {  	_ = 	snop  }
0x4: {  	_ = 	snop  }
0x5: {  	_ = 	snop  }
0x6: {  	_ = 	snop  }
0x7: {  	_ = 	snop  }
__scs_overlays_trampoline_lowered:
0x8: {  	[smem:$0x3FA1] =	sst s0  }
0x9: {  	[smem:$0x3FA2] =	sst s1  }
0xa: {  	[smem:$0x3FA3] =	sst s2  }
0xb: {  	[smem:$0x3FA4] =	sst s3  }
0xc: {  	[smem:$0x3FA5] =	sst s4  }
0xd: {  	[smem:$0x3FA6] =	sst s5  }
0xe: {  	[smem:$0x3FA7] =	sst s6  }
0xf: {  	[smem:$0x3FA8] =	sst s7  }
0x10: {  	[smem:$0x3FA9] =	sst s8  }
0x11: {  	[smem:$0x3FAA] =	sst s9;
	s0 =	simm.s32 @!p0 $0x0  }
0x12: {  	s1 =	sld [smem:$0x3F90];
	s0 =	simm.s32 @p0 $0x1  }
0x13: {  	[smem:$0x3FAB] =	sst s0;
	s0 =	simm.s32 @!p1 $0x0  }
0x14: {  	s2 =	sld [smem:$0x3F8F];
	s0 =	simm.s32 @p1 $0x1  }
0x15: {  	[smem:$0x3FAC] =	sst s0;
	s0 =	simm.s32 @!p2 $0x0  }
0x16: {  	s3 =	sld [smem:$0x3FDB];
	s0 =	simm.s32 @p2 $0x1  }
0x17: {  	s4 =	simm.s32 $0x1BF5;
	[smem:$0x3FAE] =	sst s0  }
0x18: {  	s0 =	sld [smem:$0x3F91];
	_ =	swait.ge [sflag:s4], $0x0  }
0x19: {  	s7 =	sld [smem:$0x3F92]  }
0x1a: {  	s8 =	sadd.s32 $0xFFFFE003, lr  }
0x1b: {  	s9 =	sadd.s32 $0xFFFFFEF7, lr;
	s5 =	simm.s32 $0xFFFFFFFF;
	p2 =	slt.u32 s8, $0xFFFFF086  }
0x1c: {  	p1 =	slt.u32 s9, $0xF7A;
	s5 =	simm.s32 @!p2 $0x0  }
0x1d: {  	s5 =	simm.s32 @p1 $0x1;
	p0 =	seq.s32 s7, s2  }
0x1e: {  	s7 =	smul.u32 @!p0 $0xF7A, s2;
	p2 =	seq.s32 @!p0 s5, $0x0  }
0x1f: {  	s9 =	smul.u32 $0xF7A, s1;
	s8 =	simm.s32 @!p0 $0x1BF5;
	p2 =	por !p2, p0  }
0x20: {  	[sflag:s8] =	ssyncset.s32 @!p0 $0xFFFFF086;
	s6 =	sadd.s32 @!p0 s3, s7;
	s7 =	simm.s32 @!p0 $0x108  }
0x21: {  	s3 =	sadd.s32 s3, s9;
	s6 =	sadd.s32 @!p0 $0x88, s6;
	s7 =	simm.s32 @p2 $0x1082  }
0x22: {  	[simem:s7], [sflag:s8] =	dma.local @!p0 [hbm:s6], $0xF7A  }
0x23: {  	s9 =	sor.u32 $0xD0000000, s2;
	s6 =	simm.s32 $0x108;
	_ =	swait.ge @!p0 [sflag:s8], $0x0  }
0x24: {  	s3 =	sadd.s32 $0x88, s3;
	s6 =	simm.s32 @!p1 $0x1082;
	[sflag:s4] =	ssyncset.s32 $0xFFFFF086  }
0x25: {  	[simem:s6], [sflag:s4] =	dma.local [hbm:s3], $0xF7A  }
0x26: {  	[smem:$0x3F92] =	sst s1;
	(tag) =	ssettag s2;
	_ =	strace s9  }
0x27: {  	s1 =	sld [smem:$0x3FA2]  }
0x28: {  	s2 =	sld [smem:$0x3FA3]  }
0x29: {  	s4 =	sld [smem:$0x3FA5]  }
0x2a: {  	p0 =	seq.s32 s5, $0x0;
	s5 =	sld [smem:$0x3FA6]  }
0x2b: {  	s6 =	sld [smem:$0x3FA7]  }
0x2c: {  	s7 =	sld [smem:$0x3FA8]  }
0x2d: {  	s3 =	simm.s32 $0x108;
	s8 =	sld [smem:$0x3FA9]  }
0x2e: {  	s3 =	simm.s32 @!p0 $0x1082;
	s9 =	sld [smem:$0x3FAA]  }
0x2f: {  	lr =	sadd.s32 s0, s3;
	s0 =	sld [smem:$0x3FA1]  }
0x30: {  	s3 =	sld [smem:$0x3FA4]  }
0x31: {  	[smem:$0x3FAD] =	sst s10  }
0x32: {  	s10 =	sld [smem:$0x3FAB];
	_ =	sdelay $0x3  }
0x33: {  	p0 =	seq.s32 s10, $0x1;
	s10 =	sld [smem:$0x3FAD];
	_ =	sdelay $0x3  }
0x34: {  	[smem:$0x3FAD] =	sst s10  }
0x35: {  	s10 =	sld [smem:$0x3FAC];
	_ =	sdelay $0x3  }
0x36: {  	p1 =	seq.s32 s10, $0x1;
	s10 =	sld [smem:$0x3FAD];
	_ =	sdelay $0x3  }
0x37: {  	[smem:$0x3FAD] =	sst s10  }
0x38: {  	s10 =	sld [smem:$0x3FAE]  }
0x39: {  	_ = 	snop;
	(pc) =	sbr.ind lr, $3  }
0x3a: {  	_ = 	snop  }
0x3b: {  	_ = 	snop  }
0x3c: {  	p2 =	seq.s32 s10, $0x1;
	s10 =	sld [smem:$0x3FAD]  }
0x3d: {  	_ =	shalt  }
0x3e: {  	_ =	shalt  }
0x3f: {  	_ =	shalt  }
0x40: {  	_ =	shalt  }
0x41: {  	_ =	shalt  }
0x42: {  	_ =	shalt  }
0x43: {  	_ =	shalt  }
0x44: {  	_ =	shalt  }
0x45: {  	_ =	shalt  }
0x46: {  	_ =	shalt  }
0x47: {  	_ =	shalt  }
0x48: {  	_ =	shalt  }
0x49: {  	_ =	shalt  }
0x4a: {  	_ =	shalt  }
0x4b: {  	_ =	shalt  }
0x4c: {  	_ =	shalt  }
0x4d: {  	_ =	shalt  }
0x4e: {  	_ =	shalt  }
0x4f: {  	_ =	shalt  }
0x50: {  	_ =	shalt  }
0x51: {  	_ =	shalt  }
0x52: {  	_ =	shalt  }
0x53: {  	_ =	shalt  }
0x54: {  	_ =	shalt  }
0x55: {  	_ =	shalt  }
0x56: {  	_ =	shalt  }
0x57: {  	_ =	shalt  }
0x58: {  	_ =	shalt  }
0x59: {  	_ =	shalt  }
0x5a: {  	_ =	shalt  }
0x5b: {  	_ =	shalt  }
0x5c: {  	_ =	shalt  }
0x5d: {  	_ =	shalt  }
0x5e: {  	_ =	shalt  }
0x5f: {  	_ =	shalt  }
0x60: {  	_ =	shalt  }
0x61: {  	_ =	shalt  }
0x62: {  	_ =	shalt  }
0x63: {  	_ =	shalt  }
0x64: {  	_ =	shalt  }
0x65: {  	_ =	shalt  }
0x66: {  	_ =	shalt  }
0x67: {  	_ =	shalt  }
0x68: {  	_ =	shalt  }
0x69: {  	_ =	shalt  }
0x6a: {  	_ =	shalt  }
0x6b: {  	_ =	shalt  }
0x6c: {  	_ =	shalt  }
0x6d: {  	_ =	shalt  }
0x6e: {  	_ =	shalt  }
0x6f: {  	_ =	shalt  }
0x70: {  	_ =	shalt  }
0x71: {  	_ =	shalt  }
0x72: {  	_ =	shalt  }
0x73: {  	_ =	shalt  }
0x74: {  	_ =	shalt  }
0x75: {  	_ =	shalt  }
0x76: {  	_ =	shalt  }
0x77: {  	_ =	shalt  }
0x78: {  	_ =	shalt  }
0x79: {  	_ =	shalt  }
0x7a: {  	_ =	shalt  }
0x7b: {  	_ =	shalt  }
0x7c: {  	_ =	shalt  }
0x7d: {  	_ =	shalt  }
0x7e: {  	_ =	shalt  }
0x7f: {  	_ =	shalt  }
0x80: {  	_ =	shalt  }
0x81: {  	_ =	shalt  }
0x82: {  	_ =	shalt  }
0x83: {  	_ =	shalt  }
0x84: {  	_ =	shalt  }
0x85: {  	_ =	shalt  }
0x86: {  	_ =	shalt  }
0x87: {  	_ =	shalt  }
.Lfunc_end0:
.L_simem_size_0:
called_computation_lowered:
.L_overlay_start_0:
0x88: {  	s2 =	sld [smem:$0x3FD9]  }
0x89: {  	s3 =	sld [smem:$0x3FFE];
	_ =	sdelay $0x1  }
0x8a: {  	s1 =	srdreg.scid  }
0x8b: {  	s0 =	sand.u32 $0x1, s1  }
0x8c: {  	s16 =	sshll.u32 s0, $0xA;
	s2 =	sadd.s32 s3, s2  }
0x8d: {  	s2 =	sadd.s32 s2, s16  }
0x8e: {  	[smem:$0x3FB9] =	sst s2  }
0x8f: {  	_ = 	snop  }
0x90: {  	(tm) =	ssettm $0x1  }
0x91: {  	s17 =	sld [smem:$0x3FFB];
	_ =	sdelay $0x3  }
0x92: {  	_ =	strace s17  }
0x93: {  	s2 =	sld [smem:$0x3FFC];
	_ =	sdelay $0x3  }
0x94: {  	_ =	strace s2  }
0x95: {  	s2 =	sld [smem:$0x3FFD];
	_ =	sdelay $0x3  }
0x96: {  	_ =	strace s2  }
0x97: {  	_ =	strace $0x8FFFFFFF  }
0x98: {  	s18 =	sld [smem:$0x3FDB];
	_ =	sdelay $0x1  }
0x99: {  	s19 =	simm.s32 $_scs_section_size  }
0x9a: {  	s4 =	simm.s32 $_size__tile_overlayer_lowered;
	s5 =	simm.s32 $_tile_overlayer_lowered  }
0x9b: {  	s22 =	simm.s32 $0x1BFF;
	s21 =	sshll.u32 s5, $0x1;
	s2 =	sadd.s32 s19, s18  }
0x9c: {  	s6 =	simm.s32 $0x0;
	s20 =	sshll.u32 s4, $0x1;
	s4 =	sadd.s32 s21, s2  }
0x9d: {  	[timem:s6], [sflag:s22] =	dma.local [hbm:s4], s20  }
0x9e: {  	_ =	swait.ge [sflag:s22], s20  }
0x9f: {  	s3 =	ssub.s32 $0x0, s20;
	[sflag:s22] =	ssyncset.done $0x0  }
0xa0: {  	[sflag:s22] =	ssyncadd.s32 s3;
	_ =	sdelay $0x1  }
0xa1: {  	s23 =	simm.s32 $0x1B8B  }
0xa2: {  	_ =	swait.ge [sflag:s23], $0x1  }
0xa3: {  	[sflag:s23] =	ssyncset.done $0x0  }
0xa4: {  	s25 =	simm.s32 $0x1B8E;
	s24 =	sld [smem:$0x3FFE];
	[sflag:s23] =	ssyncadd.s32 $0xFFFFFFFF  }
0xa5: {  	s26 =	simm.s32 $execute0_lowered;
	[smem:$0x3FD2] =	sst s25  }
0xa6: {  	s4 =	sshll.u32 s26, $0x1;
	_ =	strace $0x80000046;
	[dreg:$0x1] =	wrdreg $0xFFFFFFFF  }
0xa7: {  	s28 =	simm.s32 $_size_execute0_lowered;
	s2 =	sadd.s32 s2, s4;
	[dreg:$0x0] =	wrdreg $0x0  }
0xa8: {  	s4 =	sshll.u32 s28, $0x1;
	[dreg:$0x2] =	wrdreg s2  }
0xa9: {  	[dreg:$0x3] =	wrdreg s4  }
0xaa: {  	[dreg:$0x4] =	wrdreg $0xC0  }
0xab: {  	_ =	task [dreg:s6], $0x5FFFF  }
0xac: {  	[dreg:$0x1] =	wrdreg $0xFFFFFFFF  }
0xad: {  	[dreg:$0x0] =	wrdreg $0x60  }
0xae: {  	[dreg:$0x2] =	wrdreg s24  }
0xaf: {  	[dreg:$0x3] =	wrdreg $0x9  }
0xb0: {  	_ =	task.clear_ibuf [dreg:s6], $0x4FFFF;
	_ =	strace $0x90000046  }
0xb1: {  	s29 =	simm.s32 $0x9;
	_ =	strace $0x80000048  }
0xb2: {  	_ =	swait.ge [sflag:s29], $0x1  }
0xb3: {  	[sflag:s29] =	ssyncadd.s32 $0xFFFFFFFF  }
0xb4: {  	_ =	strace $0x90000048  }
0xb5: {  	_ =	sfence  }
0xb6: {  	s30 =	sld [smem:$0x0];
	_ =	sdelay $0x2  }
0xb7: {  	s31 =	sshll.u32 s1, $0xD;
	s1 =	sshrl.u32 s1, $0x2  }
0xb8: {  	s3 =	sand.u32 $0x4000, s31;
	s1 =	sadd.s32 s1, s30  }
0xb9: {  	s0 =	sor.u32 s3, s0;
	s1 =	sshll.u32 s1, $0x11  }
0xba: {  	s0 =	sor.u32 s1, s0  }
0xbb: {  	s0 =	sadd.s32 $0x8F2B, s0  }
0xbc: {  	[sflag:s0] =	ssyncadd.remote.s32 $0x1  }
0xbd: {  	_ =	sfence.sel $0xFFFF  }
0xbe: {  	[dreg:$0x0] =	wrdreg $0xFFFFFFFF;
	(pc) =	sbr.abs _section_cstart, $3  }
0xbf: {  	[dreg:$0x1] =	wrdreg $0xFFFFFFFF  }
0xc0: {  	_ =	task.clear_ibuf [dreg:s6], $0x2FFFF;
	_ =	strace $0x9FFFFFFF  }
0xc1: {  	(tm) =	ssettm $0x7FFFFFFF  }
tec
execute0_lowered:
.L_overlay_start_1:
0x0: {  	(tag) =	ssettag $0x1  }
0x1: {  	s1 =	srdreg.scid  }
0x2: {  	s0 =	stileid.u32;
	s4 =	rddreg [dreg:$0x0]  }
0x3: {  	s2 =	simm.s32 $0x0;
	s11 =	simm.s32 $0x1A0;
	s12 =	simm.s32 $0x10400  }
0x4: {  	s13 =	simm.s32 $0x1;
	s14 =	simm.s32 $0x2;
	s15 =	simm.s32 $0x3260  }
0x5: {  	s16 =	simm.s32 $0x0;
	s6 =	sand.u32 $0x1, s1;
	s1 =	rddreg [dreg:$0x1]  }
0x6: {  	s25 =	sshll.u32 s0, $0x1;
	[smem:$0x7FF] =	sst s2;
	s29 =	smul.u32 $0x68000, s0  }
0x7: {  	s5 =	sor.u32 s6, s25;
	s8 =	ssub.s32 $0x2, s6;
	s31 =	smul.u32 $0x34000, s6  }
0x8: {  	s9 =	sadd.s32 $0x13E5400, s4;
	s3 =	smul.u32 $0x3400, s5;
	s26 =	sshrl.u32 s8, $0x1  }
0x9: {  	_ =	strace $0x80000047;
	s10 =	smul.u32 $0x34000, s5;
	s28 =	ssub.s32 s8, s26  }
0xa: {  	s8 =	sadd.s32 s29, s9;
	s7 =	sshrl.u32 s3, $0x3;
	s3 =	sadd.s32 $0xF200, s4  }
0xb: {  	s5 =	smax.u32 s28, $0x1;
	s30 =	sadd.s32 s9, s10;
	s8 =	sadd.s32 s31, s8  }
0xc: {  	s9 =	simm.s32 $0x3;
	s10 =	simm.s32 $0x3400;
	s7 =	sadd.s32 s7, s4  }
0xd: {  	s6 =	sadd.s32 $0x30C00, s30;
	s4 =	sadd.s32 $0x2200, s7;
	s7 =	sadd.s32 $0x32600, s30  }
.LBB2_1:
0xe: {  	[tilespmem:s2], [sflag:$0x3] =	stream.linear.gather [hbm4b:s4+s2], $0x3400, $0x38;
	[tilespmem:$0x1D400] =	vst v63  }
0xf: {  	_ =	swait.ge [sflag:s9], $0x3400  }
0x10: {  	[sflag:s9] =	ssyncset.done $0x0  }
0x11: {  	[sflag:s9] =	ssyncadd.s32 $0xFFFFCC00  }
0x12: {  	[tilespmem:s10], [sflag:$0x1] =	stream.indirect.gather [hbm4b:s3+s11], $0x80, s2, s11, $0xb8;
	[tilespmem:$0x1D400] =	vst v63  }
0x13: {  	_ = 	snop  }
0x14: {  	[tilespmem:s12], [sflag:$0x2] =	stream.indirect.gather [hbm4b:s3+s11], $0x80, s11, s11, $0xb8;
	[tilespmem:$0x1D400] =	vst v63  }
0x15: {  	_ =	swait.ge [sflag:s13], $0xD000  }
0x16: {  	[sflag:s13] =	ssyncset.done $0x0  }
0x17: {  	s17 =	sadd.s32 $0x0, s8;
	[sflag:s13] =	ssyncadd.s32 $0xFFFF3000  }
0x18: {  	[hbm4b:s17+s2] =	stream.linear.scatter [tilespmem:s10], [sflag:$0x3], $0xD000, $0x38;
	[tilespmem:$0x1D400] =	vst v63  }
0x19: {  	_ =	swait.ge [sflag:s9], $0xD000  }
0x1a: {  	[sflag:s9] =	ssyncset.done $0x0  }
0x1b: {  	s18 =	simm.s32 $0x340;
	[sflag:s9] =	ssyncadd.s32 $0xFFFF3000  }
0x1c: {  	[tilespmem:s10], [sflag:$0x1] =	stream.indirect.gather [hbm4b:s3+s11], $0x80, s18, s11, $0xb8;
	[tilespmem:$0x1D400] =	vst v63  }
0x1d: {  	_ =	swait.ge [sflag:s14], $0xD000  }
0x1e: {  	[sflag:s14] =	ssyncset.done $0x0  }
0x1f: {  	s17 =	sadd.s32 $0x1A00, s17;
	[sflag:s14] =	ssyncadd.s32 $0xFFFF3000  }
0x20: {  	[hbm4b:s17+s2] =	stream.linear.scatter [tilespmem:s12], [sflag:$0x3], $0xD000, $0x38;
	[tilespmem:$0x1D400] =	vst v63  }
0x21: {  	_ =	swait.ge [sflag:s9], $0xD000  }
0x22: {  	s18 =	simm.s32 $0x1A0;
	s17 =	simm.s32 $0x3400;
	[sflag:s9] =	ssyncset.done $0x0  }
.LBB2_2:
0x23: {  	p0 =	sne.s32 s17, $0x2D800;
	[sflag:s9] =	ssyncadd.s32 $0xFFFF3000;
	s18 =	sadd.s32 $0x340, s18  }
0x24: {  	[tilespmem:s12], [sflag:$0x2] =	stream.indirect.gather [hbm4b:s3+s11], $0x80, s18, s11, $0xb8;
	[tilespmem:$0x1D400] =	vst v63  }
0x25: {  	s19 =	smov.u32 s17;
	s17 =	sadd.s32 $0x3400, s17;
	_ =	swait.ge [sflag:s13], $0xD000  }
0x26: {  	[sflag:s13] =	ssyncset.done $0x0  }
0x27: {  	s19 =	sadd.s32 s19, s8;
	[sflag:s13] =	ssyncadd.s32 $0xFFFF3000  }
0x28: {  	[hbm4b:s19+s2] =	stream.linear.scatter [tilespmem:s10], [sflag:$0x3], $0xD000, $0x38;
	[tilespmem:$0x1D400] =	vst v63  }
0x29: {  	_ =	swait.ge [sflag:s9], $0xD000  }
0x2a: {  	[sflag:s9] =	ssyncset.done $0x0  }
0x2b: {  	s20 =	sadd.s32 $0x1A0, s18;
	[sflag:s9] =	ssyncadd.s32 $0xFFFF3000  }
0x2c: {  	[tilespmem:s10], [sflag:$0x1] =	stream.indirect.gather [hbm4b:s3+s11], $0x80, s20, s11, $0xb8;
	[tilespmem:$0x1D400] =	vst v63  }
0x2d: {  	_ =	swait.ge [sflag:s14], $0xD000  }
.Ltmp0:
0x2e: {  	[sflag:s14] =	ssyncset.done $0x0;
	(pc) =	sbr.rel @p0 .LBB2_2-.Ltmp0, $4  }
0x2f: {  	s19 =	sadd.s32 $0x1A00, s19;
	[sflag:s14] =	ssyncadd.s32 $0xFFFF3000  }
0x30: {  	[hbm4b:s19+s2] =	stream.linear.scatter [tilespmem:s12], [sflag:$0x3], $0xD000, $0x38;
	[tilespmem:$0x1D400] =	vst v63  }
0x31: {  	_ =	swait.ge [sflag:s9], $0xD000  }
0x32: {  	[sflag:s9] =	ssyncset.done $0x0  }
0x33: {  	[sflag:s9] =	ssyncadd.s32 $0xFFFF3000  }
0x34: {  	[tilespmem:s12], [sflag:$0x2] =	stream.indirect.gather [hbm4b:s3+s11], $0x80, s15, s11, $0xb8;
	[tilespmem:$0x1D400] =	vst v63  }
0x35: {  	_ =	swait.ge [sflag:s13], $0xD000  }
0x36: {  	[sflag:s13] =	ssyncset.done $0x0  }
0x37: {  	[sflag:s13] =	ssyncadd.s32 $0xFFFF3000  }
0x38: {  	[hbm4b:s6+s2] =	stream.linear.scatter [tilespmem:s10], [sflag:$0x3], $0xD000, $0x38;
	[tilespmem:$0x1D400] =	vst v63  }
0x39: {  	_ =	swait.ge [sflag:s9], $0xD000  }
0x3a: {  	[sflag:s9] =	ssyncset.done $0x0  }
0x3b: {  	[sflag:s9] =	ssyncadd.s32 $0xFFFF3000  }
0x3c: {  	s16 =	sadd.s32 $0x1, s16;
	_ =	swait.ge [sflag:s14], $0xD000  }
0x3d: {  	p0 =	sne.s32 s16, s5;
	[sflag:s14] =	ssyncset.done $0x0  }
.Ltmp1:
0x3e: {  	[sflag:s14] =	ssyncadd.s32 $0xFFFF3000;
	(pc) =	sbr.rel @p0 .LBB2_1-.Ltmp1, $4  }
0x3f: {  	[hbm4b:s7+s2] =	stream.linear.scatter [tilespmem:s12], [sflag:$0x3], $0xD000, $0x38;
	[tilespmem:$0x1D400] =	vst v63  }
0x40: {  	_ =	swait.ge [sflag:s9], $0xD000  }
0x41: {  	[sflag:s9] =	ssyncset.done $0x0  }
0x42: {  	[sflag:s9] =	ssyncadd.s32 $0xFFFF3000  }
0x43: {  	_ =	sfence.sel $0x180000  }
0x44: {  	[bflag:$0x0] =	sbarrier.arrive $0xFFFF  }
0x45: {  	p0 =	sne.s32 s0, $0x0;
	_ =	strace $0x90000047  }
0x46: {  	s0 =	sadd.s32 @!p0 $0x100000, s1;
	[bflag:$0x2] =	sbarrier.arrive $0xFFFF  }
0x47: {  	[sflag:s0] =	ssyncadd.tile.s32 @!p0 $0x1;
	_ =	shalt  }
.Lfunc_end2:
_tile_overlayer_lowered:
.L_overlay_start_2:
0x48: {  	(tag) =	ssettag $0x2  }
0x49: {  	s0 =	rddreg [dreg:$0x0];
	s2 =	stileid.u32  }
0x4a: {  	s1 =	rddreg [dreg:$0x1];
	p0 =	sne.s32 s2, $0x0  }
0x4b: {  	s3 =	rddreg [dreg:$0x2];
	[bflag:$0x3] =	sbarrier.arrive $0xFFFF;
	s2 =	simm.s32 @!p0 $0x1C03  }
0x4c: {  	[timem:s3], [sflag:s2] =	dma.local @!p0 [hbm:s0], s1  }
0x4d: {  	s0 =	simm.s32 @!p0 $0x3  }
0x4e: {  	_ =	swait.ge @!p0 [sflag:s0], s1  }
0x4f: {  	s1 =	ssub.s32 @!p0 $0x0, s1;
	[sflag:s0] =	ssyncset.done @!p0 $0x0  }
0x50: {  	[sflag:s0] =	ssyncadd.s32 @!p0 s1  }
0x51: {  	[bflag:$0x3] =	sbarrier.arrive $0xFFFF  }
0x52: {  	_ =	shalt  }

</sc_bundles>
